<compile_context>
chip_gen: v7x
topology: tpu7x:2x2x1
jax: 0.10.2.dev20260603
libtpu: 0.0.44.dev20260713+nightly
codegen_flags: <defaults>
</compile_context>

<pallas_src>
import functools

import jax
import jax.numpy as jnp
from jax import lax
from jax.experimental import pallas as pl
from jax.experimental.pallas import tpu as pltpu
from jax.experimental.pallas import tpu_sc as plsc

M = 16
MM = M * M
NH = 16
B = 64
NIDX = MM * MM
TBL = (2 * M - 1) ** 2

_NC = 2
_NS = 16
_NW = _NC * _NS
_IPW = NIDX // _NW
_IROWS = MM // _NW


def _sc_gather_body(table_hbm, idx_hbm, out_hbm, table_v, idx_v, rows_v, sem):
    wid = lax.axis_index("s") * _NC + lax.axis_index("c")
    ct = pltpu.async_copy(table_hbm, table_v, sem)
    ci = pltpu.async_copy(idx_hbm.at[pl.ds(wid * _IPW, _IPW)], idx_v, sem)
    ct.wait()
    ci.wait()

    def block(kb, carry):
        idx16 = idx_v[pl.ds(kb * 16, 16)]
        fidx = idx16 * NH
        i_loc = kb >> 4
        j0 = (kb & 15) * 16
        for h in range(NH):
            vals = plsc.load_gather(table_v, [fidx + h])
            rows_v[i_loc, h, pl.ds(j0, 16)] = vals
        return carry

    lax.fori_loop(0, _IPW // 16, block, 0, unroll=2)
    pltpu.sync_copy(rows_v, out_hbm.at[pl.ds(wid * _IROWS, _IROWS)])


@functools.cache
def _sc_gather():
    return pl.kernel(
        _sc_gather_body,
        out_type=jax.ShapeDtypeStruct((MM, NH, MM), jnp.float32),
        mesh=plsc.VectorSubcoreMesh(core_axis_name="c", subcore_axis_name="s"),
        scratch_types=[
            pltpu.VMEM((TBL * NH,), jnp.float32),
            pltpu.VMEM((_IPW,), jnp.int32),
            pltpu.VMEM((_IROWS, NH, MM), jnp.float32),
            pltpu.SemaphoreType.DMA,
        ],
        compiler_params=pltpu.CompilerParams(
            needs_layout_passes=False, use_tc_tiling_on_sc=True
        ),
    )


def _add_body(x_ref, b_ref, o_ref):
    o_ref[...] = x_ref[...] + b_ref[...][None]


def kernel(x, bias_table, index):
    bias_t = _sc_gather()(bias_table.reshape(-1), index)
    xt = x.transpose(0, 1, 3, 2)
    out_t = pl.pallas_call(
        _add_body,
        grid=(B // 2,),
        in_specs=[
            pl.BlockSpec((2, MM, NH, MM), lambda b: (b, 0, 0, 0)),
            pl.BlockSpec((MM, NH, MM), lambda b: (0, 0, 0)),
        ],
        out_specs=pl.BlockSpec((2, MM, NH, MM), lambda b: (b, 0, 0, 0)),
        out_shape=jax.ShapeDtypeStruct((B, MM, NH, MM), jnp.float32),
    )(xt, bias_t)
    return out_t.transpose(0, 1, 3, 2)

# --- scband reference (transcript-rebuilt; emitter-appended) ---
"""Pipeline reference for scband-relative-position-bias-79680233276357 (READ-ONLY COPY).

The authoritative reference and input builder live on the scoring server;
editing this copy changes nothing except your own understanding.
"""

import jax, jax.numpy as jnp
import numpy as np

M = 16
nH = 16
B = 64
MM = M * M

def _make_index():
    a = np.arange(M)
    coords = np.stack(np.meshgrid(a, a, indexing='ij'), axis=-1).reshape(-1, 2)  # cartesian_prod
    rel = coords[:, None, :] - coords[None, :, :]
    rel = rel + (M - 1)
    rel[..., 0] *= 2 * M - 1
    return rel.sum(-1).reshape(-1).astype(np.int32)  # [MM*MM]

def setup_inputs(seed: int = 0) -> dict:
    key = jax.random.key(seed)
    k1, k2 = jax.random.split(key)
    x = jax.random.normal(k1, (B, MM, MM, nH), dtype=jnp.float32)
    bias_table = jax.random.normal(k2, ((2 * M - 1) ** 2, nH), dtype=jnp.float32) * 0.02
    index = jnp.asarray(_make_index())
    return {"x": x, "bias_table": bias_table, "index": index}

def reference(x, bias_table, index):
    flat = jnp.take(bias_table, index, axis=0)        # [MM*MM, nH] gather
    bias = flat.reshape(MM, MM, nH)                   # unflatten
    return x + bias                                   # broadcast add over batch

if __name__ == "__main__":
    import jax
    _d = setup_inputs()
    print(jax.jit(kernel)(*tuple(_d.values())))

</pallas_src>

<mosaic_0001>
#map = affine_map<(d0, d1) -> (0)>
#map1 = affine_map<(d0, d1) -> (0, 0, 0)>
module attributes {stable_mosaic.version = 14 : i64} {
  func.func @_sc_gather_body(%arg0: i32, %arg1: i32, %arg2: memref<15376xf32, #tpu.memory_space<hbm>>, %arg3: memref<65536xi32, #tpu.memory_space<hbm>>, %arg4: memref<256x16x256xf32, #tpu.memory_space<hbm>>, %arg5: memref<15376xf32, #tpu.memory_space<vmem>>, %arg6: memref<2048xi32, #tpu.memory_space<vmem>>, %arg7: memref<8x16x256xf32, #tpu.memory_space<vmem>>, %arg8: memref<!tpu.dma_semaphore, #tpu.memory_space<semaphore_mem>>) attributes {dimension_semantics = [#tpu.dimension_semantics<core_parallel>, #tpu.dimension_semantics<subcore_parallel>], iteration_bounds = array<i64: 2, 16>, scalar_prefetch = 0 : i64, scratch_operands = 4 : i64, tpu.core_type = #tpu.core_type<sc_vector_subcore>, window_params = [{transform_indices = #map}, {transform_indices = #map}, {transform_indices = #map1}]} {
    %mul3A = arith.constant 2 : i32
    %mul3A_0 = arith.muli %arg1, %mul3A : i32
    %add3A = arith.addi %mul3A_0, %arg0 : i32
    tpu.enqueue_dma source(%arg2 : memref<15376xf32, #tpu.memory_space<hbm>>) target(%arg5 : memref<15376xf32, #tpu.memory_space<vmem>>) target_semaphore(%arg8 : memref<!tpu.dma_semaphore, #tpu.memory_space<semaphore_mem>>)
    %mul3A_1 = arith.constant 2048 : i32
    %mul3A_2 = arith.muli %add3A, %mul3A_1 : i32
    %dma_start3A = tpu.memref_slice %arg3[%mul3A_2] : memref<65536xi32, #tpu.memory_space<hbm>> -> memref<2048xi32, #tpu.memory_space<hbm>>
    %dma_start3A_3 = tpu.memref_slice %arg3[%mul3A_2] : memref<65536xi32, #tpu.memory_space<hbm>> -> memref<2048xi32, #tpu.memory_space<hbm>>
    tpu.enqueue_dma source(%dma_start3A_3 : memref<2048xi32, #tpu.memory_space<hbm>>) target(%arg6 : memref<2048xi32, #tpu.memory_space<vmem>>) target_semaphore(%arg8 : memref<!tpu.dma_semaphore, #tpu.memory_space<semaphore_mem>>)
    tpu.wait_dma2 semaphore(%arg8 : memref<!tpu.dma_semaphore, #tpu.memory_space<semaphore_mem>>) src(%arg2 : memref<15376xf32, #tpu.memory_space<hbm>>) dst(%arg5 : memref<15376xf32, #tpu.memory_space<vmem>>)
    %dma_wait3A = tpu.memref_slice %arg3[%mul3A_2] : memref<65536xi32, #tpu.memory_space<hbm>> -> memref<2048xi32, #tpu.memory_space<hbm>>
    %dma_wait3A_4 = tpu.memref_slice %arg3[%mul3A_2] : memref<65536xi32, #tpu.memory_space<hbm>> -> memref<2048xi32, #tpu.memory_space<hbm>>
    tpu.wait_dma2 semaphore(%arg8 : memref<!tpu.dma_semaphore, #tpu.memory_space<semaphore_mem>>) src(%dma_wait3A_4 : memref<2048xi32, #tpu.memory_space<hbm>>) dst(%arg6 : memref<2048xi32, #tpu.memory_space<vmem>>)
    %scan3A = arith.constant 0 : i32
    %scan3A_5 = arith.constant 0 : i32
    %scan3A_6 = arith.constant 128 : i32
    %scan3A_7 = arith.addi %scan3A_5, %scan3A_6 : i32
    %scan3A_8 = arith.constant 2 : i32
    scf.for %scan3A_12 = %scan3A_5 to %scan3A_7 step %scan3A_8  : i32 {
      %mul3A_13 = arith.constant 16 : i32
      %mul3A_14 = arith.muli %scan3A_12, %mul3A_13 : i32
      %get3A = arith.index_cast %mul3A_14 : i32 to index
      %get3A_15 = tpu.vector_load %arg6[%get3A] {strides = array<i32>} : memref<2048xi32, #tpu.memory_space<vmem>>, vector<16xi32>,
      %mul3A_16 = arith.constant 16 : i32
      %mul3A_17 = vector.broadcast %mul3A_16 : i32 to vector<16xi32>
      %mul3A_18 = arith.muli %get3A_15, %mul3A_17 : vector<16xi32>
      %shift_right_arithmetic3A = arith.constant 4 : i32
      %shift_right_arithmetic3A_19 = arith.shrsi %scan3A_12, %shift_right_arithmetic3A : i32
      %and3A = arith.constant 15 : i32
      %and3A_20 = arith.andi %scan3A_12, %and3A : i32
      %mul3A_21 = arith.constant 16 : i32
      %mul3A_22 = arith.muli %and3A_20, %mul3A_21 : i32
      %add3A_23 = arith.constant 0 : i32
      %add3A_24 = vector.broadcast %add3A_23 : i32 to vector<16xi32>
      %add3A_25 = arith.addi %mul3A_18, %add3A_24 : vector<16xi32>
      %gather3A = tpu.vector_load_idx %arg5[%add3A_25] : memref<15376xf32, #tpu.memory_space<vmem>>[vector<16xi32>], vector<16xf32>,
      %swap3A = arith.constant 0 : i32
      %swap3A_26 = arith.index_cast %shift_right_arithmetic3A_19 : i32 to index
      %swap3A_27 = arith.index_cast %swap3A : i32 to index
      %swap3A_28 = arith.index_cast %mul3A_22 : i32 to index
      %swap3A_29 = tpu.vector_load %arg7[%swap3A_26, %swap3A_27, %swap3A_28] {strides = array<i32>} : memref<8x16x256xf32, #tpu.memory_space<vmem>>, vector<16xf32>,
      tpu.vector_store %arg7[%swap3A_26, %swap3A_27, %swap3A_28], %gather3A {strides = array<i32>} : memref<8x16x256xf32, #tpu.memory_space<vmem>>, vector<16xf32>,
      %add3A_30 = arith.constant 1 : i32
      %add3A_31 = vector.broadcast %add3A_30 : i32 to vector<16xi32>
      %add3A_32 = arith.addi %mul3A_18, %add3A_31 : vector<16xi32>
      %gather3A_33 = tpu.vector_load_idx %arg5[%add3A_32] : memref<15376xf32, #tpu.memory_space<vmem>>[vector<16xi32>], vector<16xf32>,
      %swap3A_34 = arith.constant 1 : i32
      %swap3A_35 = arith.index_cast %shift_right_arithmetic3A_19 : i32 to index
      %swap3A_36 = arith.index_cast %swap3A_34 : i32 to index
      %swap3A_37 = arith.index_cast %mul3A_22 : i32 to index
      %swap3A_38 = tpu.vector_load %arg7[%swap3A_35, %swap3A_36, %swap3A_37] {strides = array<i32>} : memref<8x16x256xf32, #tpu.memory_space<vmem>>, vector<16xf32>,
      tpu.vector_store %arg7[%swap3A_35, %swap3A_36, %swap3A_37], %gather3A_33 {strides = array<i32>} : memref<8x16x256xf32, #tpu.memory_space<vmem>>, vector<16xf32>,
      %add3A_39 = arith.constant 2 : i32
      %add3A_40 = vector.broadcast %add3A_39 : i32 to vector<16xi32>
      %add3A_41 = arith.addi %mul3A_18, %add3A_40 : vector<16xi32>
      %gather3A_42 = tpu.vector_load_idx %arg5[%add3A_41] : memref<15376xf32, #tpu.memory_space<vmem>>[vector<16xi32>], vector<16xf32>,
      %swap3A_43 = arith.constant 2 : i32
      %swap3A_44 = arith.index_cast %shift_right_arithmetic3A_19 : i32 to index
      %swap3A_45 = arith.index_cast %swap3A_43 : i32 to index
      %swap3A_46 = arith.index_cast %mul3A_22 : i32 to index
      %swap3A_47 = tpu.vector_load %arg7[%swap3A_44, %swap3A_45, %swap3A_46] {strides = array<i32>} : memref<8x16x256xf32, #tpu.memory_space<vmem>>, vector<16xf32>,
      tpu.vector_store %arg7[%swap3A_44, %swap3A_45, %swap3A_46], %gather3A_42 {strides = array<i32>} : memref<8x16x256xf32, #tpu.memory_space<vmem>>, vector<16xf32>,
      %add3A_48 = arith.constant 3 : i32
      %add3A_49 = vector.broadcast %add3A_48 : i32 to vector<16xi32>
      %add3A_50 = arith.addi %mul3A_18, %add3A_49 : vector<16xi32>
      %gather3A_51 = tpu.vector_load_idx %arg5[%add3A_50] : memref<15376xf32, #tpu.memory_space<vmem>>[vector<16xi32>], vector<16xf32>,
      %swap3A_52 = arith.constant 3 : i32
      %swap3A_53 = arith.index_cast %shift_right_arithmetic3A_19 : i32 to index
      %swap3A_54 = arith.index_cast %swap3A_52 : i32 to index
      %swap3A_55 = arith.index_cast %mul3A_22 : i32 to index
      %swap3A_56 = tpu.vector_load %arg7[%swap3A_53, %swap3A_54, %swap3A_55] {strides = array<i32>} : memref<8x16x256xf32, #tpu.memory_space<vmem>>, vector<16xf32>,
      tpu.vector_store %arg7[%swap3A_53, %swap3A_54, %swap3A_55], %gather3A_51 {strides = array<i32>} : memref<8x16x256xf32, #tpu.memory_space<vmem>>, vector<16xf32>,
      %add3A_57 = arith.constant 4 : i32
      %add3A_58 = vector.broadcast %add3A_57 : i32 to vector<16xi32>
      %add3A_59 = arith.addi %mul3A_18, %add3A_58 : vector<16xi32>
      %gather3A_60 = tpu.vector_load_idx %arg5[%add3A_59] : memref<15376xf32, #tpu.memory_space<vmem>>[vector<16xi32>], vector<16xf32>,
      %swap3A_61 = arith.constant 4 : i32
      %swap3A_62 = arith.index_cast %shift_right_arithmetic3A_19 : i32 to index
      %swap3A_63 = arith.index_cast %swap3A_61 : i32 to index
      %swap3A_64 = arith.index_cast %mul3A_22 : i32 to index
      %swap3A_65 = tpu.vector_load %arg7[%swap3A_62, %swap3A_63, %swap3A_64] {strides = array<i32>} : memref<8x16x256xf32, #tpu.memory_space<vmem>>, vector<16xf32>,
      tpu.vector_store %arg7[%swap3A_62, %swap3A_63, %swap3A_64], %gather3A_60 {strides = array<i32>} : memref<8x16x256xf32, #tpu.memory_space<vmem>>, vector<16xf32>,
      %add3A_66 = arith.constant 5 : i32
      %add3A_67 = vector.broadcast %add3A_66 : i32 to vector<16xi32>
      %add3A_68 = arith.addi %mul3A_18, %add3A_67 : vector<16xi32>
      %gather3A_69 = tpu.vector_load_idx %arg5[%add3A_68] : memref<15376xf32, #tpu.memory_space<vmem>>[vector<16xi32>], vector<16xf32>,
      %swap3A_70 = arith.constant 5 : i32
      %swap3A_71 = arith.index_cast %shift_right_arithmetic3A_19 : i32 to index
      %swap3A_72 = arith.index_cast %swap3A_70 : i32 to index
      %swap3A_73 = arith.index_cast %mul3A_22 : i32 to index
      %swap3A_74 = tpu.vector_load %arg7[%swap3A_71, %swap3A_72, %swap3A_73] {strides = array<i32>} : memref<8x16x256xf32, #tpu.memory_space<vmem>>, vector<16xf32>,
      tpu.vector_store %arg7[%swap3A_71, %swap3A_72, %swap3A_73], %gather3A_69 {strides = array<i32>} : memref<8x16x256xf32, #tpu.memory_space<vmem>>, vector<16xf32>,
      %add3A_75 = arith.constant 6 : i32
      %add3A_76 = vector.broadcast %add3A_75 : i32 to vector<16xi32>
      %add3A_77 = arith.addi %mul3A_18, %add3A_76 : vector<16xi32>
      %gather3A_78 = tpu.vector_load_idx %arg5[%add3A_77] : memref<15376xf32, #tpu.memory_space<vmem>>[vector<16xi32>], vector<16xf32>,
      %swap3A_79 = arith.constant 6 : i32
      %swap3A_80 = arith.index_cast %shift_right_arithmetic3A_19 : i32 to index
      %swap3A_81 = arith.index_cast %swap3A_79 : i32 to index
      %swap3A_82 = arith.index_cast %mul3A_22 : i32 to index
      %swap3A_83 = tpu.vector_load %arg7[%swap3A_80, %swap3A_81, %swap3A_82] {strides = array<i32>} : memref<8x16x256xf32, #tpu.memory_space<vmem>>, vector<16xf32>,
      tpu.vector_store %arg7[%swap3A_80, %swap3A_81, %swap3A_82], %gather3A_78 {strides = array<i32>} : memref<8x16x256xf32, #tpu.memory_space<vmem>>, vector<16xf32>,
      %add3A_84 = arith.constant 7 : i32
      %add3A_85 = vector.broadcast %add3A_84 : i32 to vector<16xi32>
      %add3A_86 = arith.addi %mul3A_18, %add3A_85 : vector<16xi32>
      %gather3A_87 = tpu.vector_load_idx %arg5[%add3A_86] : memref<15376xf32, #tpu.memory_space<vmem>>[vector<16xi32>], vector<16xf32>,
      %swap3A_88 = arith.constant 7 : i32
      %swap3A_89 = arith.index_cast %shift_right_arithmetic3A_19 : i32 to index
      %swap3A_90 = arith.index_cast %swap3A_88 : i32 to index
      %swap3A_91 = arith.index_cast %mul3A_22 : i32 to index
      %swap3A_92 = tpu.vector_load %arg7[%swap3A_89, %swap3A_90, %swap3A_91] {strides = array<i32>} : memref<8x16x256xf32, #tpu.memory_space<vmem>>, vector<16xf32>,
      tpu.vector_store %arg7[%swap3A_89, %swap3A_90, %swap3A_91], %gather3A_87 {strides = array<i32>} : memref<8x16x256xf32, #tpu.memory_space<vmem>>, vector<16xf32>,
      %add3A_93 = arith.constant 8 : i32
      %add3A_94 = vector.broadcast %add3A_93 : i32 to vector<16xi32>
      %add3A_95 = arith.addi %mul3A_18, %add3A_94 : vector<16xi32>
      %gather3A_96 = tpu.vector_load_idx %arg5[%add3A_95] : memref<15376xf32, #tpu.memory_space<vmem>>[vector<16xi32>], vector<16xf32>,
      %swap3A_97 = arith.constant 8 : i32
      %swap3A_98 = arith.index_cast %shift_right_arithmetic3A_19 : i32 to index
      %swap3A_99 = arith.index_cast %swap3A_97 : i32 to index
      %swap3A_100 = arith.index_cast %mul3A_22 : i32 to index
      %swap3A_101 = tpu.vector_load %arg7[%swap3A_98, %swap3A_99, %swap3A_100] {strides = array<i32>} : memref<8x16x256xf32, #tpu.memory_space<vmem>>, vector<16xf32>,
      tpu.vector_store %arg7[%swap3A_98, %swap3A_99, %swap3A_100], %gather3A_96 {strides = array<i32>} : memref<8x16x256xf32, #tpu.memory_space<vmem>>, vector<16xf32>,
      %add3A_102 = arith.constant 9 : i32
      %add3A_103 = vector.broadcast %add3A_102 : i32 to vector<16xi32>
      %add3A_104 = arith.addi %mul3A_18, %add3A_103 : vector<16xi32>
      %gather3A_105 = tpu.vector_load_idx %arg5[%add3A_104] : memref<15376xf32, #tpu.memory_space<vmem>>[vector<16xi32>], vector<16xf32>,
      %swap3A_106 = arith.constant 9 : i32
      %swap3A_107 = arith.index_cast %shift_right_arithmetic3A_19 : i32 to index
      %swap3A_108 = arith.index_cast %swap3A_106 : i32 to index
      %swap3A_109 = arith.index_cast %mul3A_22 : i32 to index
      %swap3A_110 = tpu.vector_load %arg7[%swap3A_107, %swap3A_108, %swap3A_109] {strides = array<i32>} : memref<8x16x256xf32, #tpu.memory_space<vmem>>, vector<16xf32>,
      tpu.vector_store %arg7[%swap3A_107, %swap3A_108, %swap3A_109], %gather3A_105 {strides = array<i32>} : memref<8x16x256xf32, #tpu.memory_space<vmem>>, vector<16xf32>,
      %add3A_111 = arith.constant 10 : i32
      %add3A_112 = vector.broadcast %add3A_111 : i32 to vector<16xi32>
      %add3A_113 = arith.addi %mul3A_18, %add3A_112 : vector<16xi32>
      %gather3A_114 = tpu.vector_load_idx %arg5[%add3A_113] : memref<15376xf32, #tpu.memory_space<vmem>>[vector<16xi32>], vector<16xf32>,
      %swap3A_115 = arith.constant 10 : i32
      %swap3A_116 = arith.index_cast %shift_right_arithmetic3A_19 : i32 to index
      %swap3A_117 = arith.index_cast %swap3A_115 : i32 to index
      %swap3A_118 = arith.index_cast %mul3A_22 : i32 to index
      %swap3A_119 = tpu.vector_load %arg7[%swap3A_116, %swap3A_117, %swap3A_118] {strides = array<i32>} : memref<8x16x256xf32, #tpu.memory_space<vmem>>, vector<16xf32>,
      tpu.vector_store %arg7[%swap3A_116, %swap3A_117, %swap3A_118], %gather3A_114 {strides = array<i32>} : memref<8x16x256xf32, #tpu.memory_space<vmem>>, vector<16xf32>,
      %add3A_120 = arith.constant 11 : i32
      %add3A_121 = vector.broadcast %add3A_120 : i32 to vector<16xi32>
      %add3A_122 = arith.addi %mul3A_18, %add3A_121 : vector<16xi32>
      %gather3A_123 = tpu.vector_load_idx %arg5[%add3A_122] : memref<15376xf32, #tpu.memory_space<vmem>>[vector<16xi32>], vector<16xf32>,
      %swap3A_124 = arith.constant 11 : i32
      %swap3A_125 = arith.index_cast %shift_right_arithmetic3A_19 : i32 to index
      %swap3A_126 = arith.index_cast %swap3A_124 : i32 to index
      %swap3A_127 = arith.index_cast %mul3A_22 : i32 to index
      %swap3A_128 = tpu.vector_load %arg7[%swap3A_125, %swap3A_126, %swap3A_127] {strides = array<i32>} : memref<8x16x256xf32, #tpu.memory_space<vmem>>, vector<16xf32>,
      tpu.vector_store %arg7[%swap3A_125, %swap3A_126, %swap3A_127], %gather3A_123 {strides = array<i32>} : memref<8x16x256xf32, #tpu.memory_space<vmem>>, vector<16xf32>,
      %add3A_129 = arith.constant 12 : i32
      %add3A_130 = vector.broadcast %add3A_129 : i32 to vector<16xi32>
      %add3A_131 = arith.addi %mul3A_18, %add3A_130 : vector<16xi32>
      %gather3A_132 = tpu.vector_load_idx %arg5[%add3A_131] : memref<15376xf32, #tpu.memory_space<vmem>>[vector<16xi32>], vector<16xf32>,
      %swap3A_133 = arith.constant 12 : i32
      %swap3A_134 = arith.index_cast %shift_right_arithmetic3A_19 : i32 to index
      %swap3A_135 = arith.index_cast %swap3A_133 : i32 to index
      %swap3A_136 = arith.index_cast %mul3A_22 : i32 to index
      %swap3A_137 = tpu.vector_load %arg7[%swap3A_134, %swap3A_135, %swap3A_136] {strides = array<i32>} : memref<8x16x256xf32, #tpu.memory_space<vmem>>, vector<16xf32>,
      tpu.vector_store %arg7[%swap3A_134, %swap3A_135, %swap3A_136], %gather3A_132 {strides = array<i32>} : memref<8x16x256xf32, #tpu.memory_space<vmem>>, vector<16xf32>,
      %add3A_138 = arith.constant 13 : i32
      %add3A_139 = vector.broadcast %add3A_138 : i32 to vector<16xi32>
      %add3A_140 = arith.addi %mul3A_18, %add3A_139 : vector<16xi32>
      %gather3A_141 = tpu.vector_load_idx %arg5[%add3A_140] : memref<15376xf32, #tpu.memory_space<vmem>>[vector<16xi32>], vector<16xf32>,
      %swap3A_142 = arith.constant 13 : i32
      %swap3A_143 = arith.index_cast %shift_right_arithmetic3A_19 : i32 to index
      %swap3A_144 = arith.index_cast %swap3A_142 : i32 to index
      %swap3A_145 = arith.index_cast %mul3A_22 : i32 to index
      %swap3A_146 = tpu.vector_load %arg7[%swap3A_143, %swap3A_144, %swap3A_145] {strides = array<i32>} : memref<8x16x256xf32, #tpu.memory_space<vmem>>, vector<16xf32>,
      tpu.vector_store %arg7[%swap3A_143, %swap3A_144, %swap3A_145], %gather3A_141 {strides = array<i32>} : memref<8x16x256xf32, #tpu.memory_space<vmem>>, vector<16xf32>,
      %add3A_147 = arith.constant 14 : i32
      %add3A_148 = vector.broadcast %add3A_147 : i32 to vector<16xi32>
      %add3A_149 = arith.addi %mul3A_18, %add3A_148 : vector<16xi32>
      %gather3A_150 = tpu.vector_load_idx %arg5[%add3A_149] : memref<15376xf32, #tpu.memory_space<vmem>>[vector<16xi32>], vector<16xf32>,
      %swap3A_151 = arith.constant 14 : i32
      %swap3A_152 = arith.index_cast %shift_right_arithmetic3A_19 : i32 to index
      %swap3A_153 = arith.index_cast %swap3A_151 : i32 to index
      %swap3A_154 = arith.index_cast %mul3A_22 : i32 to index
      %swap3A_155 = tpu.vector_load %arg7[%swap3A_152, %swap3A_153, %swap3A_154] {strides = array<i32>} : memref<8x16x256xf32, #tpu.memory_space<vmem>>, vector<16xf32>,
      tpu.vector_store %arg7[%swap3A_152, %swap3A_153, %swap3A_154], %gather3A_150 {strides = array<i32>} : memref<8x16x256xf32, #tpu.memory_space<vmem>>, vector<16xf32>,
      %add3A_156 = arith.constant 15 : i32
      %add3A_157 = vector.broadcast %add3A_156 : i32 to vector<16xi32>
      %add3A_158 = arith.addi %mul3A_18, %add3A_157 : vector<16xi32>
      %gather3A_159 = tpu.vector_load_idx %arg5[%add3A_158] : memref<15376xf32, #tpu.memory_space<vmem>>[vector<16xi32>], vector<16xf32>,
      %swap3A_160 = arith.constant 15 : i32
      %swap3A_161 = arith.index_cast %shift_right_arithmetic3A_19 : i32 to index
      %swap3A_162 = arith.index_cast %swap3A_160 : i32 to index
      %swap3A_163 = arith.index_cast %mul3A_22 : i32 to index
      %swap3A_164 = tpu.vector_load %arg7[%swap3A_161, %swap3A_162, %swap3A_163] {strides = array<i32>} : memref<8x16x256xf32, #tpu.memory_space<vmem>>, vector<16xf32>,
      tpu.vector_store %arg7[%swap3A_161, %swap3A_162, %swap3A_163], %gather3A_159 {strides = array<i32>} : memref<8x16x256xf32, #tpu.memory_space<vmem>>, vector<16xf32>,
      %scan3A_165 = arith.constant 1 : i32
      %scan3A_166 = arith.addi %scan3A_12, %scan3A_165 : i32
      %mul3A_167 = arith.constant 16 : i32
      %mul3A_168 = arith.muli %scan3A_166, %mul3A_167 : i32
      %get3A_169 = arith.index_cast %mul3A_168 : i32 to index
      %get3A_170 = tpu.vector_load %arg6[%get3A_169] {strides = array<i32>} : memref<2048xi32, #tpu.memory_space<vmem>>, vector<16xi32>,
      %mul3A_171 = arith.constant 16 : i32
      %mul3A_172 = vector.broadcast %mul3A_171 : i32 to vector<16xi32>
      %mul3A_173 = arith.muli %get3A_170, %mul3A_172 : vector<16xi32>
      %shift_right_arithmetic3A_174 = arith.constant 4 : i32
      %shift_right_arithmetic3A_175 = arith.shrsi %scan3A_166, %shift_right_arithmetic3A_174 : i32
      %and3A_176 = arith.constant 15 : i32
      %and3A_177 = arith.andi %scan3A_166, %and3A_176 : i32
      %mul3A_178 = arith.constant 16 : i32
      %mul3A_179 = arith.muli %and3A_177, %mul3A_178 : i32
      %add3A_180 = arith.constant 0 : i32
      %add3A_181 = vector.broadcast %add3A_180 : i32 to vector<16xi32>
      %add3A_182 = arith.addi %mul3A_173, %add3A_181 : vector<16xi32>
      %gather3A_183 = tpu.vector_load_idx %arg5[%add3A_182] : memref<15376xf32, #tpu.memory_space<vmem>>[vector<16xi32>], vector<16xf32>,
      %swap3A_184 = arith.constant 0 : i32
      %swap3A_185 = arith.index_cast %shift_right_arithmetic3A_175 : i32 to index
      %swap3A_186 = arith.index_cast %swap3A_184 : i32 to index
      %swap3A_187 = arith.index_cast %mul3A_179 : i32 to index
      %swap3A_188 = tpu.vector_load %arg7[%swap3A_185, %swap3A_186, %swap3A_187] {strides = array<i32>} : memref<8x16x256xf32, #tpu.memory_space<vmem>>, vector<16xf32>,
      tpu.vector_store %arg7[%swap3A_185, %swap3A_186, %swap3A_187], %gather3A_183 {strides = array<i32>} : memref<8x16x256xf32, #tpu.memory_space<vmem>>, vector<16xf32>,
      %add3A_189 = arith.constant 1 : i32
      %add3A_190 = vector.broadcast %add3A_189 : i32 to vector<16xi32>
      %add3A_191 = arith.addi %mul3A_173, %add3A_190 : vector<16xi32>
      %gather3A_192 = tpu.vector_load_idx %arg5[%add3A_191] : memref<15376xf32, #tpu.memory_space<vmem>>[vector<16xi32>], vector<16xf32>,
      %swap3A_193 = arith.constant 1 : i32
      %swap3A_194 = arith.index_cast %shift_right_arithmetic3A_175 : i32 to index
      %swap3A_195 = arith.index_cast %swap3A_193 : i32 to index
      %swap3A_196 = arith.index_cast %mul3A_179 : i32 to index
      %swap3A_197 = tpu.vector_load %arg7[%swap3A_194, %swap3A_195, %swap3A_196] {strides = array<i32>} : memref<8x16x256xf32, #tpu.memory_space<vmem>>, vector<16xf32>,
      tpu.vector_store %arg7[%swap3A_194, %swap3A_195, %swap3A_196], %gather3A_192 {strides = array<i32>} : memref<8x16x256xf32, #tpu.memory_space<vmem>>, vector<16xf32>,
      %add3A_198 = arith.constant 2 : i32
      %add3A_199 = vector.broadcast %add3A_198 : i32 to vector<16xi32>
      %add3A_200 = arith.addi %mul3A_173, %add3A_199 : vector<16xi32>
      %gather3A_201 = tpu.vector_load_idx %arg5[%add3A_200] : memref<15376xf32, #tpu.memory_space<vmem>>[vector<16xi32>], vector<16xf32>,
      %swap3A_202 = arith.constant 2 : i32
      %swap3A_203 = arith.index_cast %shift_right_arithmetic3A_175 : i32 to index
      %swap3A_204 = arith.index_cast %swap3A_202 : i32 to index
      %swap3A_205 = arith.index_cast %mul3A_179 : i32 to index
      %swap3A_206 = tpu.vector_load %arg7[%swap3A_203, %swap3A_204, %swap3A_205] {strides = array<i32>} : memref<8x16x256xf32, #tpu.memory_space<vmem>>, vector<16xf32>,
      tpu.vector_store %arg7[%swap3A_203, %swap3A_204, %swap3A_205], %gather3A_201 {strides = array<i32>} : memref<8x16x256xf32, #tpu.memory_space<vmem>>, vector<16xf32>,
      %add3A_207 = arith.constant 3 : i32
      %add3A_208 = vector.broadcast %add3A_207 : i32 to vector<16xi32>
      %add3A_209 = arith.addi %mul3A_173, %add3A_208 : vector<16xi32>
      %gather3A_210 = tpu.vector_load_idx %arg5[%add3A_209] : memref<15376xf32, #tpu.memory_space<vmem>>[vector<16xi32>], vector<16xf32>,
      %swap3A_211 = arith.constant 3 : i32
      %swap3A_212 = arith.index_cast %shift_right_arithmetic3A_175 : i32 to index
      %swap3A_213 = arith.index_cast %swap3A_211 : i32 to index
      %swap3A_214 = arith.index_cast %mul3A_179 : i32 to index
      %swap3A_215 = tpu.vector_load %arg7[%swap3A_212, %swap3A_213, %swap3A_214] {strides = array<i32>} : memref<8x16x256xf32, #tpu.memory_space<vmem>>, vector<16xf32>,
      tpu.vector_store %arg7[%swap3A_212, %swap3A_213, %swap3A_214], %gather3A_210 {strides = array<i32>} : memref<8x16x256xf32, #tpu.memory_space<vmem>>, vector<16xf32>,
      %add3A_216 = arith.constant 4 : i32
      %add3A_217 = vector.broadcast %add3A_216 : i32 to vector<16xi32>
      %add3A_218 = arith.addi %mul3A_173, %add3A_217 : vector<16xi32>
      %gather3A_219 = tpu.vector_load_idx %arg5[%add3A_218] : memref<15376xf32, #tpu.memory_space<vmem>>[vector<16xi32>], vector<16xf32>,
      %swap3A_220 = arith.constant 4 : i32
      %swap3A_221 = arith.index_cast %shift_right_arithmetic3A_175 : i32 to index
      %swap3A_222 = arith.index_cast %swap3A_220 : i32 to index
      %swap3A_223 = arith.index_cast %mul3A_179 : i32 to index
      %swap3A_224 = tpu.vector_load %arg7[%swap3A_221, %swap3A_222, %swap3A_223] {strides = array<i32>} : memref<8x16x256xf32, #tpu.memory_space<vmem>>, vector<16xf32>,
      tpu.vector_store %arg7[%swap3A_221, %swap3A_222, %swap3A_223], %gather3A_219 {strides = array<i32>} : memref<8x16x256xf32, #tpu.memory_space<vmem>>, vector<16xf32>,
      %add3A_225 = arith.constant 5 : i32
      %add3A_226 = vector.broadcast %add3A_225 : i32 to vector<16xi32>
      %add3A_227 = arith.addi %mul3A_173, %add3A_226 : vector<16xi32>
      %gather3A_228 = tpu.vector_load_idx %arg5[%add3A_227] : memref<15376xf32, #tpu.memory_space<vmem>>[vector<16xi32>], vector<16xf32>,
      %swap3A_229 = arith.constant 5 : i32
      %swap3A_230 = arith.index_cast %shift_right_arithmetic3A_175 : i32 to index
      %swap3A_231 = arith.index_cast %swap3A_229 : i32 to index
      %swap3A_232 = arith.index_cast %mul3A_179 : i32 to index
      %swap3A_233 = tpu.vector_load %arg7[%swap3A_230, %swap3A_231, %swap3A_232] {strides = array<i32>} : memref<8x16x256xf32, #tpu.memory_space<vmem>>, vector<16xf32>,
      tpu.vector_store %arg7[%swap3A_230, %swap3A_231, %swap3A_232], %gather3A_228 {strides = array<i32>} : memref<8x16x256xf32, #tpu.memory_space<vmem>>, vector<16xf32>,
      %add3A_234 = arith.constant 6 : i32
      %add3A_235 = vector.broadcast %add3A_234 : i32 to vector<16xi32>
      %add3A_236 = arith.addi %mul3A_173, %add3A_235 : vector<16xi32>
      %gather3A_237 = tpu.vector_load_idx %arg5[%add3A_236] : memref<15376xf32, #tpu.memory_space<vmem>>[vector<16xi32>], vector<16xf32>,
      %swap3A_238 = arith.constant 6 : i32
      %swap3A_239 = arith.index_cast %shift_right_arithmetic3A_175 : i32 to index
      %swap3A_240 = arith.index_cast %swap3A_238 : i32 to index
      %swap3A_241 = arith.index_cast %mul3A_179 : i32 to index
      %swap3A_242 = tpu.vector_load %arg7[%swap3A_239, %swap3A_240, %swap3A_241] {strides = array<i32>} : memref<8x16x256xf32, #tpu.memory_space<vmem>>, vector<16xf32>,
      tpu.vector_store %arg7[%swap3A_239, %swap3A_240, %swap3A_241], %gather3A_237 {strides = array<i32>} : memref<8x16x256xf32, #tpu.memory_space<vmem>>, vector<16xf32>,
      %add3A_243 = arith.constant 7 : i32
      %add3A_244 = vector.broadcast %add3A_243 : i32 to vector<16xi32>
      %add3A_245 = arith.addi %mul3A_173, %add3A_244 : vector<16xi32>
      %gather3A_246 = tpu.vector_load_idx %arg5[%add3A_245] : memref<15376xf32, #tpu.memory_space<vmem>>[vector<16xi32>], vector<16xf32>,
      %swap3A_247 = arith.constant 7 : i32
      %swap3A_248 = arith.index_cast %shift_right_arithmetic3A_175 : i32 to index
      %swap3A_249 = arith.index_cast %swap3A_247 : i32 to index
      %swap3A_250 = arith.index_cast %mul3A_179 : i32 to index
      %swap3A_251 = tpu.vector_load %arg7[%swap3A_248, %swap3A_249, %swap3A_250] {strides = array<i32>} : memref<8x16x256xf32, #tpu.memory_space<vmem>>, vector<16xf32>,
      tpu.vector_store %arg7[%swap3A_248, %swap3A_249, %swap3A_250], %gather3A_246 {strides = array<i32>} : memref<8x16x256xf32, #tpu.memory_space<vmem>>, vector<16xf32>,
      %add3A_252 = arith.constant 8 : i32
      %add3A_253 = vector.broadcast %add3A_252 : i32 to vector<16xi32>
      %add3A_254 = arith.addi %mul3A_173, %add3A_253 : vector<16xi32>
      %gather3A_255 = tpu.vector_load_idx %arg5[%add3A_254] : memref<15376xf32, #tpu.memory_space<vmem>>[vector<16xi32>], vector<16xf32>,
      %swap3A_256 = arith.constant 8 : i32
      %swap3A_257 = arith.index_cast %shift_right_arithmetic3A_175 : i32 to index
      %swap3A_258 = arith.index_cast %swap3A_256 : i32 to index
      %swap3A_259 = arith.index_cast %mul3A_179 : i32 to index
      %swap3A_260 = tpu.vector_load %arg7[%swap3A_257, %swap3A_258, %swap3A_259] {strides = array<i32>} : memref<8x16x256xf32, #tpu.memory_space<vmem>>, vector<16xf32>,
      tpu.vector_store %arg7[%swap3A_257, %swap3A_258, %swap3A_259], %gather3A_255 {strides = array<i32>} : memref<8x16x256xf32, #tpu.memory_space<vmem>>, vector<16xf32>,
      %add3A_261 = arith.constant 9 : i32
      %add3A_262 = vector.broadcast %add3A_261 : i32 to vector<16xi32>
      %add3A_263 = arith.addi %mul3A_173, %add3A_262 : vector<16xi32>
      %gather3A_264 = tpu.vector_load_idx %arg5[%add3A_263] : memref<15376xf32, #tpu.memory_space<vmem>>[vector<16xi32>], vector<16xf32>,
      %swap3A_265 = arith.constant 9 : i32
      %swap3A_266 = arith.index_cast %shift_right_arithmetic3A_175 : i32 to index
      %swap3A_267 = arith.index_cast %swap3A_265 : i32 to index
      %swap3A_268 = arith.index_cast %mul3A_179 : i32 to index
      %swap3A_269 = tpu.vector_load %arg7[%swap3A_266, %swap3A_267, %swap3A_268] {strides = array<i32>} : memref<8x16x256xf32, #tpu.memory_space<vmem>>, vector<16xf32>,
      tpu.vector_store %arg7[%swap3A_266, %swap3A_267, %swap3A_268], %gather3A_264 {strides = array<i32>} : memref<8x16x256xf32, #tpu.memory_space<vmem>>, vector<16xf32>,
      %add3A_270 = arith.constant 10 : i32
      %add3A_271 = vector.broadcast %add3A_270 : i32 to vector<16xi32>
      %add3A_272 = arith.addi %mul3A_173, %add3A_271 : vector<16xi32>
      %gather3A_273 = tpu.vector_load_idx %arg5[%add3A_272] : memref<15376xf32, #tpu.memory_space<vmem>>[vector<16xi32>], vector<16xf32>,
      %swap3A_274 = arith.constant 10 : i32
      %swap3A_275 = arith.index_cast %shift_right_arithmetic3A_175 : i32 to index
      %swap3A_276 = arith.index_cast %swap3A_274 : i32 to index
      %swap3A_277 = arith.index_cast %mul3A_179 : i32 to index
      %swap3A_278 = tpu.vector_load %arg7[%swap3A_275, %swap3A_276, %swap3A_277] {strides = array<i32>} : memref<8x16x256xf32, #tpu.memory_space<vmem>>, vector<16xf32>,
      tpu.vector_store %arg7[%swap3A_275, %swap3A_276, %swap3A_277], %gather3A_273 {strides = array<i32>} : memref<8x16x256xf32, #tpu.memory_space<vmem>>, vector<16xf32>,
      %add3A_279 = arith.constant 11 : i32
      %add3A_280 = vector.broadcast %add3A_279 : i32 to vector<16xi32>
      %add3A_281 = arith.addi %mul3A_173, %add3A_280 : vector<16xi32>
      %gather3A_282 = tpu.vector_load_idx %arg5[%add3A_281] : memref<15376xf32, #tpu.memory_space<vmem>>[vector<16xi32>], vector<16xf32>,
      %swap3A_283 = arith.constant 11 : i32
      %swap3A_284 = arith.index_cast %shift_right_arithmetic3A_175 : i32 to index
      %swap3A_285 = arith.index_cast %swap3A_283 : i32 to index
      %swap3A_286 = arith.index_cast %mul3A_179 : i32 to index
      %swap3A_287 = tpu.vector_load %arg7[%swap3A_284, %swap3A_285, %swap3A_286] {strides = array<i32>} : memref<8x16x256xf32, #tpu.memory_space<vmem>>, vector<16xf32>,
      tpu.vector_store %arg7[%swap3A_284, %swap3A_285, %swap3A_286], %gather3A_282 {strides = array<i32>} : memref<8x16x256xf32, #tpu.memory_space<vmem>>, vector<16xf32>,
      %add3A_288 = arith.constant 12 : i32
      %add3A_289 = vector.broadcast %add3A_288 : i32 to vector<16xi32>
      %add3A_290 = arith.addi %mul3A_173, %add3A_289 : vector<16xi32>
      %gather3A_291 = tpu.vector_load_idx %arg5[%add3A_290] : memref<15376xf32, #tpu.memory_space<vmem>>[vector<16xi32>], vector<16xf32>,
      %swap3A_292 = arith.constant 12 : i32
      %swap3A_293 = arith.index_cast %shift_right_arithmetic3A_175 : i32 to index
      %swap3A_294 = arith.index_cast %swap3A_292 : i32 to index
      %swap3A_295 = arith.index_cast %mul3A_179 : i32 to index
      %swap3A_296 = tpu.vector_load %arg7[%swap3A_293, %swap3A_294, %swap3A_295] {strides = array<i32>} : memref<8x16x256xf32, #tpu.memory_space<vmem>>, vector<16xf32>,
      tpu.vector_store %arg7[%swap3A_293, %swap3A_294, %swap3A_295], %gather3A_291 {strides = array<i32>} : memref<8x16x256xf32, #tpu.memory_space<vmem>>, vector<16xf32>,
      %add3A_297 = arith.constant 13 : i32
      %add3A_298 = vector.broadcast %add3A_297 : i32 to vector<16xi32>
      %add3A_299 = arith.addi %mul3A_173, %add3A_298 : vector<16xi32>
      %gather3A_300 = tpu.vector_load_idx %arg5[%add3A_299] : memref<15376xf32, #tpu.memory_space<vmem>>[vector<16xi32>], vector<16xf32>,
      %swap3A_301 = arith.constant 13 : i32
      %swap3A_302 = arith.index_cast %shift_right_arithmetic3A_175 : i32 to index
      %swap3A_303 = arith.index_cast %swap3A_301 : i32 to index
      %swap3A_304 = arith.index_cast %mul3A_179 : i32 to index
      %swap3A_305 = tpu.vector_load %arg7[%swap3A_302, %swap3A_303, %swap3A_304] {strides = array<i32>} : memref<8x16x256xf32, #tpu.memory_space<vmem>>, vector<16xf32>,
      tpu.vector_store %arg7[%swap3A_302, %swap3A_303, %swap3A_304], %gather3A_300 {strides = array<i32>} : memref<8x16x256xf32, #tpu.memory_space<vmem>>, vector<16xf32>,
      %add3A_306 = arith.constant 14 : i32
      %add3A_307 = vector.broadcast %add3A_306 : i32 to vector<16xi32>
      %add3A_308 = arith.addi %mul3A_173, %add3A_307 : vector<16xi32>
      %gather3A_309 = tpu.vector_load_idx %arg5[%add3A_308] : memref<15376xf32, #tpu.memory_space<vmem>>[vector<16xi32>], vector<16xf32>,
      %swap3A_310 = arith.constant 14 : i32
      %swap3A_311 = arith.index_cast %shift_right_arithmetic3A_175 : i32 to index
      %swap3A_312 = arith.index_cast %swap3A_310 : i32 to index
      %swap3A_313 = arith.index_cast %mul3A_179 : i32 to index
      %swap3A_314 = tpu.vector_load %arg7[%swap3A_311, %swap3A_312, %swap3A_313] {strides = array<i32>} : memref<8x16x256xf32, #tpu.memory_space<vmem>>, vector<16xf32>,
      tpu.vector_store %arg7[%swap3A_311, %swap3A_312, %swap3A_313], %gather3A_309 {strides = array<i32>} : memref<8x16x256xf32, #tpu.memory_space<vmem>>, vector<16xf32>,
      %add3A_315 = arith.constant 15 : i32
      %add3A_316 = vector.broadcast %add3A_315 : i32 to vector<16xi32>
      %add3A_317 = arith.addi %mul3A_173, %add3A_316 : vector<16xi32>
      %gather3A_318 = tpu.vector_load_idx %arg5[%add3A_317] : memref<15376xf32, #tpu.memory_space<vmem>>[vector<16xi32>], vector<16xf32>,
      %swap3A_319 = arith.constant 15 : i32
      %swap3A_320 = arith.index_cast %shift_right_arithmetic3A_175 : i32 to index
      %swap3A_321 = arith.index_cast %swap3A_319 : i32 to index
      %swap3A_322 = arith.index_cast %mul3A_179 : i32 to index
      %swap3A_323 = tpu.vector_load %arg7[%swap3A_320, %swap3A_321, %swap3A_322] {strides = array<i32>} : memref<8x16x256xf32, #tpu.memory_space<vmem>>, vector<16xf32>,
      tpu.vector_store %arg7[%swap3A_320, %swap3A_321, %swap3A_322], %gather3A_318 {strides = array<i32>} : memref<8x16x256xf32, #tpu.memory_space<vmem>>, vector<16xf32>,
    }
    %scan3A_9 = arith.constant 128 : i32
    %mul3A_10 = arith.constant 8 : i32
    %mul3A_11 = arith.muli %add3A, %mul3A_10 : i32
    "tpu.region"() ({
      %run_scoped3A = tpu.sem_alloc : memref<!tpu.dma_semaphore, #tpu.memory_space<semaphore_mem>>
      %dma_start3A_12 = arith.constant 0 : i32
      %dma_start3A_13 = arith.constant 0 : i32
      %dma_start3A_14 = tpu.memref_slice %arg4[%mul3A_11, %dma_start3A_12, %dma_start3A_13] : memref<256x16x256xf32, #tpu.memory_space<hbm>> -> memref<8x16x256xf32, #tpu.memory_space<hbm>>
      %dma_start3A_15 = arith.constant 0 : i32
      %dma_start3A_16 = arith.constant 0 : i32
      %dma_start3A_17 = tpu.memref_slice %arg4[%mul3A_11, %dma_start3A_15, %dma_start3A_16] : memref<256x16x256xf32, #tpu.memory_space<hbm>> -> memref<8x16x256xf32, #tpu.memory_space<hbm>>
      tpu.enqueue_dma source(%arg7 : memref<8x16x256xf32, #tpu.memory_space<vmem>>) target(%dma_start3A_17 : memref<8x16x256xf32, #tpu.memory_space<hbm>>) target_semaphore(%run_scoped3A : memref<!tpu.dma_semaphore, #tpu.memory_space<semaphore_mem>>)
      %dma_wait3A_18 = arith.constant 0 : i32
      %dma_wait3A_19 = arith.constant 0 : i32
      %dma_wait3A_20 = tpu.memref_slice %arg4[%mul3A_11, %dma_wait3A_18, %dma_wait3A_19] : memref<256x16x256xf32, #tpu.memory_space<hbm>> -> memref<8x16x256xf32, #tpu.memory_space<hbm>>
      %dma_wait3A_21 = arith.constant 0 : i32
      %dma_wait3A_22 = arith.constant 0 : i32
      %dma_wait3A_23 = tpu.memref_slice %arg4[%mul3A_11, %dma_wait3A_21, %dma_wait3A_22] : memref<256x16x256xf32, #tpu.memory_space<hbm>> -> memref<8x16x256xf32, #tpu.memory_space<hbm>>
      tpu.wait_dma2 semaphore(%run_scoped3A : memref<!tpu.dma_semaphore, #tpu.memory_space<semaphore_mem>>) src(%arg7 : memref<8x16x256xf32, #tpu.memory_space<vmem>>) dst(%dma_wait3A_23 : memref<8x16x256xf32, #tpu.memory_space<hbm>>)
      tpu.yield
    }) : () -> ()
    return
  }
}

module attributes {stable_mosaic.version = 14 : i64} {
  func.func @_add_body(%arg0: i32, %arg1: memref<2x256x16x256xf32, #tpu.memory_space<vmem>>, %arg2: memref<256x16x256xf32, #tpu.memory_space<vmem>>, %arg3: memref<2x256x16x256xf32, #tpu.memory_space<vmem>>) attributes {dimension_semantics = [#tpu.dimension_semantics<arbitrary>], iteration_bounds = array<i64: 32>, scalar_prefetch = 0 : i64, scratch_operands = 0 : i64, tpu.core_type = #tpu.core_type<tc>, window_params = [{transform_indices = @transform_0, window_bounds = array<i64: 2, 256, 16, 256>}, {pipeline_mode = #tpu.pipeline_mode<synchronous>, transform_indices = @transform_1, window_bounds = array<i64: 256, 16, 256>}, {transform_indices = @transform_2, window_bounds = array<i64: 2, 256, 16, 256>}]} {
    %get3A = arith.constant 0 : index
    %get3A_0 = arith.constant 0 : index
    %get3A_1 = arith.constant 0 : index
    %get3A_2 = arith.constant 0 : index
    %get3A_3 = vector.load %arg1[%get3A, %get3A_0, %get3A_1, %get3A_2] : memref<2x256x16x256xf32, #tpu.memory_space<vmem>>, vector<2x256x16x256xf32>
    %get3A_4 = arith.constant 0 : index
    %get3A_5 = arith.constant 0 : index
    %get3A_6 = arith.constant 0 : index
    %get3A_7 = vector.load %arg2[%get3A_4, %get3A_5, %get3A_6] : memref<256x16x256xf32, #tpu.memory_space<vmem>>, vector<256x16x256xf32>
    %broadcast_in_dim3A = vector.shape_cast %get3A_7 : vector<256x16x256xf32> to vector<1x256x16x256xf32>
    %add3A = vector.broadcast %broadcast_in_dim3A : vector<1x256x16x256xf32> to vector<2x256x16x256xf32>
    %add3A_8 = arith.addf %get3A_3, %add3A : vector<2x256x16x256xf32>
    %swap3A = arith.constant 0 : index
    %swap3A_9 = arith.constant 0 : index
    %swap3A_10 = arith.constant 0 : index
    %swap3A_11 = arith.constant 0 : index
    %swap3A_12 = vector.load %arg3[%swap3A, %swap3A_9, %swap3A_10, %swap3A_11] : memref<2x256x16x256xf32, #tpu.memory_space<vmem>>, vector<2x256x16x256xf32>
    tpu.vector_store %arg3[%swap3A, %swap3A_9, %swap3A_10, %swap3A_11], %add3A_8 {strides = array<i32>} : memref<2x256x16x256xf32, #tpu.memory_space<vmem>>, vector<2x256x16x256xf32>,
    return
  }
  func.func @transform_0(%arg0: i32) -> (i32, i32, i32, i32) {
    %c0_i32 = arith.constant 0 : i32
    %c0_i32_0 = arith.constant 0 : i32
    %c0_i32_1 = arith.constant 0 : i32
    %c0_i32_2 = arith.constant 0 : i32
    return %arg0, %c0_i32, %c0_i32_0, %c0_i32_1 : i32, i32, i32, i32
  }
  func.func @transform_1(%arg0: i32) -> (i32, i32, i32) {
    %c0_i32 = arith.constant 0 : i32
    %c0_i32_0 = arith.constant 0 : i32
    %c0_i32_1 = arith.constant 0 : i32
    %c0_i32_2 = arith.constant 0 : i32
    return %c0_i32, %c0_i32_0, %c0_i32_1 : i32, i32, i32
  }
  func.func @transform_2(%arg0: i32) -> (i32, i32, i32, i32) {
    %c0_i32 = arith.constant 0 : i32
    %c0_i32_0 = arith.constant 0 : i32
    %c0_i32_1 = arith.constant 0 : i32
    %c0_i32_2 = arith.constant 0 : i32
    return %arg0, %c0_i32, %c0_i32_0, %c0_i32_1 : i32, i32, i32, i32
  }
}

</mosaic_0001>

<sc_bundles>
// kernel: kernel.4.cloned.1.call-start
scs
__scs_entry_jumppad:
0x0: {  	(pc) =	sbr.rel $0x88, $3  }
0x1: {  	(tag) =	ssettag $0x0;
	lr =	simm.s32 $0x1  }
0x2: {  	[smem:$0x3F9E] =	sst lr;
	_ =	strace $0xD0000000  }
0x3: {  	_ = 	snop  }
0x4: {  	_ = 	snop  }
0x5: {  	_ = 	snop  }
0x6: {  	_ = 	snop  }
0x7: {  	_ = 	snop  }
__scs_overlays_trampoline_lowered:
0x8: {  	[smem:$0x3FAD] =	sst s0  }
0x9: {  	[smem:$0x3FAE] =	sst s1  }
0xa: {  	[smem:$0x3FAF] =	sst s2  }
0xb: {  	[smem:$0x3FB0] =	sst s3  }
0xc: {  	[smem:$0x3FB1] =	sst s4  }
0xd: {  	[smem:$0x3FB2] =	sst s5  }
0xe: {  	[smem:$0x3FB3] =	sst s6  }
0xf: {  	[smem:$0x3FB4] =	sst s7  }
0x10: {  	[smem:$0x3FB5] =	sst s8  }
0x11: {  	[smem:$0x3FB6] =	sst s9;
	s0 =	simm.s32 @!p0 $0x0  }
0x12: {  	s1 =	sld [smem:$0x3F9C];
	s0 =	simm.s32 @p0 $0x1  }
0x13: {  	[smem:$0x3FB7] =	sst s0;
	s0 =	simm.s32 @!p1 $0x0  }
0x14: {  	s2 =	sld [smem:$0x3F9B];
	s0 =	simm.s32 @p1 $0x1  }
0x15: {  	[smem:$0x3FB8] =	sst s0;
	s0 =	simm.s32 @!p2 $0x0  }
0x16: {  	s3 =	sld [smem:$0x3FDB];
	s0 =	simm.s32 @p2 $0x1  }
0x17: {  	s4 =	simm.s32 $0x1BF5;
	[smem:$0x3FBA] =	sst s0  }
0x18: {  	s0 =	sld [smem:$0x3F9D];
	_ =	swait.ge [sflag:s4], $0x0  }
0x19: {  	s7 =	sld [smem:$0x3F9E]  }
0x1a: {  	s8 =	sadd.s32 $0xFFFFE003, lr  }
0x1b: {  	s9 =	sadd.s32 $0xFFFFFEF7, lr;
	s5 =	simm.s32 $0xFFFFFFFF;
	p2 =	slt.u32 s8, $0xFFFFF086  }
0x1c: {  	p1 =	slt.u32 s9, $0xF7A;
	s5 =	simm.s32 @!p2 $0x0  }
0x1d: {  	s5 =	simm.s32 @p1 $0x1;
	p0 =	seq.s32 s7, s2  }
0x1e: {  	s7 =	smul.u32 @!p0 $0xF7A, s2;
	p2 =	seq.s32 @!p0 s5, $0x0  }
0x1f: {  	s9 =	smul.u32 $0xF7A, s1;
	s8 =	simm.s32 @!p0 $0x1BF5;
	p2 =	por !p2, p0  }
0x20: {  	[sflag:s8] =	ssyncset.s32 @!p0 $0xFFFFF086;
	s6 =	sadd.s32 @!p0 s3, s7;
	s7 =	simm.s32 @!p0 $0x108  }
0x21: {  	s3 =	sadd.s32 s3, s9;
	s6 =	sadd.s32 @!p0 $0x88, s6;
	s7 =	simm.s32 @p2 $0x1082  }
0x22: {  	[simem:s7], [sflag:s8] =	dma.local @!p0 [hbm:s6], $0xF7A  }
0x23: {  	s9 =	sor.u32 $0xD0000000, s2;
	s6 =	simm.s32 $0x108;
	_ =	swait.ge @!p0 [sflag:s8], $0x0  }
0x24: {  	s3 =	sadd.s32 $0x88, s3;
	s6 =	simm.s32 @!p1 $0x1082;
	[sflag:s4] =	ssyncset.s32 $0xFFFFF086  }
0x25: {  	[simem:s6], [sflag:s4] =	dma.local [hbm:s3], $0xF7A  }
0x26: {  	[smem:$0x3F9E] =	sst s1;
	(tag) =	ssettag s2;
	_ =	strace s9  }
0x27: {  	s1 =	sld [smem:$0x3FAE]  }
0x28: {  	s2 =	sld [smem:$0x3FAF]  }
0x29: {  	s4 =	sld [smem:$0x3FB1]  }
0x2a: {  	p0 =	seq.s32 s5, $0x0;
	s5 =	sld [smem:$0x3FB2]  }
0x2b: {  	s6 =	sld [smem:$0x3FB3]  }
0x2c: {  	s7 =	sld [smem:$0x3FB4]  }
0x2d: {  	s3 =	simm.s32 $0x108;
	s8 =	sld [smem:$0x3FB5]  }
0x2e: {  	s3 =	simm.s32 @!p0 $0x1082;
	s9 =	sld [smem:$0x3FB6]  }
0x2f: {  	lr =	sadd.s32 s0, s3;
	s0 =	sld [smem:$0x3FAD]  }
0x30: {  	s3 =	sld [smem:$0x3FB0]  }
0x31: {  	[smem:$0x3FB9] =	sst s10  }
0x32: {  	s10 =	sld [smem:$0x3FB7];
	_ =	sdelay $0x3  }
0x33: {  	p0 =	seq.s32 s10, $0x1;
	s10 =	sld [smem:$0x3FB9];
	_ =	sdelay $0x3  }
0x34: {  	[smem:$0x3FB9] =	sst s10  }
0x35: {  	s10 =	sld [smem:$0x3FB8];
	_ =	sdelay $0x3  }
0x36: {  	p1 =	seq.s32 s10, $0x1;
	s10 =	sld [smem:$0x3FB9];
	_ =	sdelay $0x3  }
0x37: {  	[smem:$0x3FB9] =	sst s10  }
0x38: {  	s10 =	sld [smem:$0x3FBA]  }
0x39: {  	_ = 	snop;
	(pc) =	sbr.ind lr, $3  }
0x3a: {  	_ = 	snop  }
0x3b: {  	_ = 	snop  }
0x3c: {  	p2 =	seq.s32 s10, $0x1;
	s10 =	sld [smem:$0x3FB9]  }
0x3d: {  	_ =	shalt  }
0x3e: {  	_ =	shalt  }
0x3f: {  	_ =	shalt  }
0x40: {  	_ =	shalt  }
0x41: {  	_ =	shalt  }
0x42: {  	_ =	shalt  }
0x43: {  	_ =	shalt  }
0x44: {  	_ =	shalt  }
0x45: {  	_ =	shalt  }
0x46: {  	_ =	shalt  }
0x47: {  	_ =	shalt  }
0x48: {  	_ =	shalt  }
0x49: {  	_ =	shalt  }
0x4a: {  	_ =	shalt  }
0x4b: {  	_ =	shalt  }
0x4c: {  	_ =	shalt  }
0x4d: {  	_ =	shalt  }
0x4e: {  	_ =	shalt  }
0x4f: {  	_ =	shalt  }
0x50: {  	_ =	shalt  }
0x51: {  	_ =	shalt  }
0x52: {  	_ =	shalt  }
0x53: {  	_ =	shalt  }
0x54: {  	_ =	shalt  }
0x55: {  	_ =	shalt  }
0x56: {  	_ =	shalt  }
0x57: {  	_ =	shalt  }
0x58: {  	_ =	shalt  }
0x59: {  	_ =	shalt  }
0x5a: {  	_ =	shalt  }
0x5b: {  	_ =	shalt  }
0x5c: {  	_ =	shalt  }
0x5d: {  	_ =	shalt  }
0x5e: {  	_ =	shalt  }
0x5f: {  	_ =	shalt  }
0x60: {  	_ =	shalt  }
0x61: {  	_ =	shalt  }
0x62: {  	_ =	shalt  }
0x63: {  	_ =	shalt  }
0x64: {  	_ =	shalt  }
0x65: {  	_ =	shalt  }
0x66: {  	_ =	shalt  }
0x67: {  	_ =	shalt  }
0x68: {  	_ =	shalt  }
0x69: {  	_ =	shalt  }
0x6a: {  	_ =	shalt  }
0x6b: {  	_ =	shalt  }
0x6c: {  	_ =	shalt  }
0x6d: {  	_ =	shalt  }
0x6e: {  	_ =	shalt  }
0x6f: {  	_ =	shalt  }
0x70: {  	_ =	shalt  }
0x71: {  	_ =	shalt  }
0x72: {  	_ =	shalt  }
0x73: {  	_ =	shalt  }
0x74: {  	_ =	shalt  }
0x75: {  	_ =	shalt  }
0x76: {  	_ =	shalt  }
0x77: {  	_ =	shalt  }
0x78: {  	_ =	shalt  }
0x79: {  	_ =	shalt  }
0x7a: {  	_ =	shalt  }
0x7b: {  	_ =	shalt  }
0x7c: {  	_ =	shalt  }
0x7d: {  	_ =	shalt  }
0x7e: {  	_ =	shalt  }
0x7f: {  	_ =	shalt  }
0x80: {  	_ =	shalt  }
0x81: {  	_ =	shalt  }
0x82: {  	_ =	shalt  }
0x83: {  	_ =	shalt  }
0x84: {  	_ =	shalt  }
0x85: {  	_ =	shalt  }
0x86: {  	_ =	shalt  }
0x87: {  	_ =	shalt  }
.Lfunc_end0:
.L_simem_size_0:
called_computation_lowered:
.L_overlay_start_0:
0x88: {  	s2 =	sld [smem:$0x3FD9]  }
0x89: {  	s3 =	sld [smem:$0x3FFE];
	_ =	sdelay $0x1  }
0x8a: {  	s1 =	srdreg.scid  }
0x8b: {  	s0 =	sand.u32 $0x1, s1  }
0x8c: {  	s17 =	sshll.u32 s0, $0xA;
	s2 =	sadd.s32 s3, s2  }
0x8d: {  	s2 =	sadd.s32 s2, s17  }
0x8e: {  	[smem:$0x3FC5] =	sst s2  }
0x8f: {  	_ = 	snop  }
0x90: {  	s2 =	sld [smem:$0x3FC7]  }
0x91: {  	s18 =	sld [smem:$0x3FD0];
	(tm) =	ssettm $0x1  }
0x92: {  	s4 =	sld [smem:$0x3FFB];
	_ =	sdelay $0x3  }
0x93: {  	_ =	strace s4  }
0x94: {  	s4 =	sld [smem:$0x3FFC];
	_ =	sdelay $0x3  }
0x95: {  	_ =	strace s4  }
0x96: {  	s4 =	sld [smem:$0x3FFD];
	_ =	sdelay $0x3  }
0x97: {  	_ =	strace s4  }
0x98: {  	_ =	strace $0x8FFFFFFF  }
0x99: {  	s19 =	sld [smem:$0x3FDB];
	_ =	sdelay $0x1  }
0x9a: {  	s5 =	simm.s32 $_scs_section_size  }
0x9b: {  	s6 =	simm.s32 $_size__tile_overlayer_lowered;
	s7 =	simm.s32 $_tile_overlayer_lowered  }
0x9c: {  	s22 =	simm.s32 $0x1BFF;
	s21 =	sshll.u32 s7, $0x1;
	s4 =	sadd.s32 s5, s19  }
0x9d: {  	s8 =	simm.s32 $0x0;
	s20 =	sshll.u32 s6, $0x1;
	s6 =	sadd.s32 s21, s4  }
0x9e: {  	[timem:s8], [sflag:s22] =	dma.local [hbm:s6], s20  }
0x9f: {  	_ =	swait.ge [sflag:s22], s20  }
0xa0: {  	s5 =	ssub.s32 $0x0, s20;
	[sflag:s22] =	ssyncset.done $0x0  }
0xa1: {  	[sflag:s22] =	ssyncadd.s32 s5;
	_ =	sdelay $0x1  }
0xa2: {  	s23 =	simm.s32 $0x1B8B  }
0xa3: {  	_ =	swait.ge [sflag:s23], $0x1  }
0xa4: {  	[sflag:s23] =	ssyncset.done $0x0  }
0xa5: {  	s25 =	simm.s32 $0x1B8E;
	s24 =	sld [smem:$0x3FFE];
	[sflag:s23] =	ssyncadd.s32 $0xFFFFFFFF  }
0xa6: {  	s26 =	simm.s32 $execute0_lowered;
	[smem:$0x3FD2] =	sst s25  }
0xa7: {  	s6 =	sshll.u32 s26, $0x1;
	_ =	strace $0x80000046;
	[dreg:$0x1] =	wrdreg $0xFFFFFFFF  }
0xa8: {  	s28 =	simm.s32 $_size_execute0_lowered;
	s4 =	sadd.s32 s4, s6;
	[dreg:$0x0] =	wrdreg $0x0  }
0xa9: {  	s6 =	sshll.u32 s28, $0x1;
	[dreg:$0x2] =	wrdreg s4  }
0xaa: {  	[dreg:$0x3] =	wrdreg s6  }
0xab: {  	[dreg:$0x4] =	wrdreg $0xC0  }
0xac: {  	_ =	task [dreg:s8], $0x5FFFF  }
0xad: {  	[dreg:$0x1] =	wrdreg $0xFFFFFFFF  }
0xae: {  	[dreg:$0x0] =	wrdreg $0x60  }
0xaf: {  	[dreg:$0x2] =	wrdreg s24  }
0xb0: {  	[dreg:$0x3] =	wrdreg s2  }
0xb1: {  	[dreg:$0x4] =	wrdreg s18  }
0xb2: {  	[dreg:$0x5] =	wrdreg $0x9  }
0xb3: {  	_ =	task.clear_ibuf [dreg:s8], $0x6FFFF;
	_ =	strace $0x90000046  }
0xb4: {  	s29 =	simm.s32 $0x9;
	_ =	strace $0x80000048  }
0xb5: {  	_ =	swait.ge [sflag:s29], $0x1  }
0xb6: {  	[sflag:s29] =	ssyncadd.s32 $0xFFFFFFFF  }
0xb7: {  	_ =	strace $0x90000048  }
0xb8: {  	_ =	sfence  }
0xb9: {  	s30 =	sld [smem:$0x0];
	_ =	sdelay $0x2  }
0xba: {  	s31 =	sshll.u32 s1, $0xD;
	s1 =	sshrl.u32 s1, $0x2  }
0xbb: {  	s3 =	sand.u32 $0x4000, s31;
	s1 =	sadd.s32 s1, s30  }
0xbc: {  	s0 =	sor.u32 s3, s0;
	s1 =	sshll.u32 s1, $0x11  }
0xbd: {  	s0 =	sor.u32 s1, s0  }
0xbe: {  	s0 =	sadd.s32 $0x8F2B, s0  }
0xbf: {  	[sflag:s0] =	ssyncadd.remote.s32 $0x1  }
0xc0: {  	_ =	sfence.sel $0xFFFF  }
0xc1: {  	[dreg:$0x0] =	wrdreg $0xFFFFFFFF;
	(pc) =	sbr.abs _section_cstart, $3  }
0xc2: {  	[dreg:$0x1] =	wrdreg $0xFFFFFFFF  }
0xc3: {  	_ =	task.clear_ibuf [dreg:s8], $0x2FFFF;
	_ =	strace $0x9FFFFFFF  }
0xc4: {  	(tm) =	ssettm $0x7FFFFFFF  }
0xc5: {  	_ =	shalt  }
tec
execute0_lowered:
.L_overlay_start_1:
0x0: {  	(tag) =	ssettag $0x1  }
0x1: {  	s3 =	rddreg [dreg:$0x0]  }
0x2: {  	s4 =	rddreg [dreg:$0x1]  }
0x3: {  	s5 =	rddreg [dreg:$0x2]  }
0x4: {  	s0 =	rddreg [dreg:$0x3];
	s2 =	simm.s32 $0x0  }
0x5: {  	s6 =	srdreg.scid;
	s1 =	stileid.u32;
	s10 =	simm.s32 $0x2  }
0x6: {  	s11 =	simm.s32 $0x0;
	[smem:$0x7FF] =	sst s2;
	s6 =	sand.u32 $0x1, s6  }
0x7: {  	s7 =	sshll.u32 s1, $0x1;
	s3 =	sadd.s32 $0x600, s3;
	s8 =	ssub.s32 $0x2, s6  }
0x8: {  	_ =	strace $0x80000047;
	s6 =	sor.u32 s6, s7;
	s31 =	sshrl.u32 s8, $0x1  }
0x9: {  	s9 =	sshll.u32 s6, $0x8;
	s6 =	sshll.u32 s6, $0xC;
	s7 =	ssub.s32 s8, s31  }
0xa: {  	s4 =	sadd.s32 s4, s9;
	s5 =	sadd.s32 s5, s6;
	s8 =	simm.s32 $0x1  }
0xb: {  	s9 =	simm.s32 $0x4480;
	s6 =	smax.u32 s7, $0x1;
	s7 =	simm.s32 $0x3C80  }
.LBB2_1:
0xc: {  	[tilespmem:s2], [sflag:$0x1] =	stream.linear.gather [hbm4b:s3+s2], $0x3C80, $0x38;
	[tilespmem:$0xC480] =	vst v63  }
0xd: {  	_ = 	snop  }
0xe: {  	[tilespmem:s7], [sflag:$0x1] =	stream.linear.gather [hbm4b:s4+s2], $0x800, $0x38;
	[tilespmem:$0xC480] =	vst v63  }
0xf: {  	_ =	swait.ge [sflag:s8], $0x3C80  }
0x10: {  	[sflag:s8] =	ssyncset.done $0x0  }
0x11: {  	[sflag:s8] =	ssyncadd.s32 $0xFFFFC380  }
0x12: {  	s12 =	simm.s32 $0xFFFFFFFE;
	_ =	swait.ge [sflag:s8], $0x800  }
0x13: {  	s13 =	simm.s32 $0x10;
	s14 =	simm.s32 $0x3C90;
	[sflag:s8] =	ssyncset.done $0x0  }
0x14: {  	s15 =	simm.s32 $0x0;
	s16 =	simm.s32 $0x0;
	[sflag:s8] =	ssyncadd.s32 $0xFFFFF800  }
.LBB2_2:
0x15: {  	v0 =	vld [tilespmem:s14+$0xFFFFFFF0];
	_ =	sdelay $0x4  }
0x16: {  	v0 =	vshll.u32 v0, $0x4;
	_ =	sdelay $0x4  }
0x17: {  	v1 =	vld.idx.msk [tilespmem:v0+s2+$0x0], $0xffff  }
0x18: {  	s17 =	sand.u32 $0x7000, s15;
	s18 =	sand.u32 $0x400, s16;
	v2 =	vor.u32 $0x1, v0  }
0x19: {  	s19 =	sadd.s32 $0xFFFFFFF0, s13;
	s17 =	sor.u32 s18, s17  }
0x1a: {  	s29 =	sand.u32 $0x60, s19;
	s30 =	sadd.s32 $0x4480, s17  }
0x1b: {  	s20 =	sor.u32 s29, s30  }
0x1c: {  	[tilespmem:s20+$0x0] =	vst v1  }
0x1d: {  	v1 =	vld.idx.msk [tilespmem:v2+s2+$0x0], $0xffff  }
0x1e: {  	v37 =	vor.u32 $0x2, v0;
	_ =	sdelay $0x3  }
0x1f: {  	[tilespmem:s20+$0x80] =	vst v1  }
0x20: {  	v1 =	vld.idx.msk [tilespmem:v37+s2+$0x0], $0xffff  }
0x21: {  	v38 =	vor.u32 $0x3, v0;
	_ =	sdelay $0x3  }
0x22: {  	[tilespmem:s20+$0x100] =	vst v1  }
0x23: {  	v1 =	vld.idx.msk [tilespmem:v38+s2+$0x0], $0xffff  }
0x24: {  	v39 =	vor.u32 $0x4, v0;
	_ =	sdelay $0x3  }
0x25: {  	[tilespmem:s20+$0x180] =	vst v1  }
0x26: {  	v1 =	vld.idx.msk [tilespmem:v39+s2+$0x0], $0xffff  }
0x27: {  	v40 =	vor.u32 $0x5, v0;
	_ =	sdelay $0x3  }
0x28: {  	[tilespmem:s20+$0x200] =	vst v1  }
0x29: {  	v1 =	vld.idx.msk [tilespmem:v40+s2+$0x0], $0xffff  }
0x2a: {  	v41 =	vor.u32 $0x6, v0;
	_ =	sdelay $0x3  }
0x2b: {  	[tilespmem:s20+$0x280] =	vst v1  }
0x2c: {  	v1 =	vld.idx.msk [tilespmem:v41+s2+$0x0], $0xffff  }
0x2d: {  	v42 =	vor.u32 $0x7, v0;
	_ =	sdelay $0x3  }
0x2e: {  	[tilespmem:s20+$0x300] =	vst v1  }
0x2f: {  	v1 =	vld.idx.msk [tilespmem:v42+s2+$0x0], $0xffff  }
0x30: {  	v43 =	vor.u32 $0x8, v0;
	_ =	sdelay $0x3  }
0x31: {  	[tilespmem:s20+$0x380] =	vst v1  }
0x32: {  	v1 =	vld.idx.msk [tilespmem:v43+s2+$0x0], $0xffff  }
0x33: {  	v44 =	vor.u32 $0x9, v0;
	_ =	sdelay $0x1  }
0x34: {  	s17 =	sadd.s32 $0x4C80, s17  }
0x35: {  	s18 =	sor.u32 s29, s17  }
0x36: {  	[tilespmem:s18+$0x0] =	vst v1  }
0x37: {  	v1 =	vld.idx.msk [tilespmem:v44+s2+$0x0], $0xffff  }
0x38: {  	v45 =	vor.u32 $0xA, v0;
	_ =	sdelay $0x3  }
0x39: {  	[tilespmem:s20+$0x880] =	vst v1  }
0x3a: {  	v1 =	vld.idx.msk [tilespmem:v45+s2+$0x0], $0xffff  }
0x3b: {  	v46 =	vor.u32 $0xB, v0;
	_ =	sdelay $0x3  }
0x3c: {  	[tilespmem:s20+$0x900] =	vst v1  }
0x3d: {  	v1 =	vld.idx.msk [tilespmem:v46+s2+$0x0], $0xffff  }
0x3e: {  	v47 =	vor.u32 $0xC, v0;
	_ =	sdelay $0x3  }
0x3f: {  	[tilespmem:s20+$0x980] =	vst v1  }
0x40: {  	v1 =	vld.idx.msk [tilespmem:v47+s2+$0x0], $0xffff  }
0x41: {  	v48 =	vor.u32 $0xD, v0;
	_ =	sdelay $0x3  }
0x42: {  	[tilespmem:s20+$0xA00] =	vst v1  }
0x43: {  	v1 =	vld.idx.msk [tilespmem:v48+s2+$0x0], $0xffff  }
0x44: {  	v49 =	vor.u32 $0xE, v0;
	_ =	sdelay $0x3  }
0x45: {  	[tilespmem:s20+$0xA80] =	vst v1  }
0x46: {  	v1 =	vld.idx.msk [tilespmem:v49+s2+$0x0], $0xffff  }
0x47: {  	v0 =	vor.u32 $0xF, v0;
	_ =	sdelay $0x3  }
0x48: {  	[tilespmem:s20+$0xB00] =	vst v1  }
0x49: {  	v0 =	vld.idx.msk [tilespmem:v0+s2+$0x0], $0xffff;
	_ =	sdelay $0x4  }
0x4a: {  	[tilespmem:s20+$0xB80] =	vst v0  }
0x4b: {  	v0 =	vld [tilespmem:s14+$0x0];
	_ =	sdelay $0x4  }
0x4c: {  	v0 =	vshll.u32 v0, $0x4;
	_ =	sdelay $0x4  }
0x4d: {  	v1 =	vld.idx.msk [tilespmem:v0+s2+$0x0], $0xffff  }
0x4e: {  	v50 =	vor.u32 $0x1, v0;
	_ =	sdelay $0x1  }
0x4f: {  	s31 =	sand.u32 $0x70, s13  }
0x50: {  	s19 =	sor.u32 s31, s30  }
0x51: {  	[tilespmem:s19+$0x0] =	vst v1  }
0x52: {  	v1 =	vld.idx.msk [tilespmem:v50+s2+$0x0], $0xffff  }
0x53: {  	v51 =	vor.u32 $0x2, v0;
	_ =	sdelay $0x3  }
0x54: {  	[tilespmem:s19+$0x80] =	vst v1  }
0x55: {  	v1 =	vld.idx.msk [tilespmem:v51+s2+$0x0], $0xffff  }
0x56: {  	v52 =	vor.u32 $0x3, v0;
	_ =	sdelay $0x3  }
0x57: {  	[tilespmem:s19+$0x100] =	vst v1  }
0x58: {  	v1 =	vld.idx.msk [tilespmem:v52+s2+$0x0], $0xffff  }
0x59: {  	v53 =	vor.u32 $0x4, v0;
	_ =	sdelay $0x3  }
0x5a: {  	[tilespmem:s19+$0x180] =	vst v1  }
0x5b: {  	v1 =	vld.idx.msk [tilespmem:v53+s2+$0x0], $0xffff  }
0x5c: {  	v54 =	vor.u32 $0x5, v0;
	_ =	sdelay $0x3  }
0x5d: {  	[tilespmem:s19+$0x200] =	vst v1  }
0x5e: {  	v1 =	vld.idx.msk [tilespmem:v54+s2+$0x0], $0xffff  }
0x5f: {  	v55 =	vor.u32 $0x6, v0;
	_ =	sdelay $0x3  }
0x60: {  	[tilespmem:s19+$0x280] =	vst v1  }
0x61: {  	v1 =	vld.idx.msk [tilespmem:v55+s2+$0x0], $0xffff  }
0x62: {  	v56 =	vor.u32 $0x7, v0;
	_ =	sdelay $0x3  }
0x63: {  	[tilespmem:s19+$0x300] =	vst v1  }
0x64: {  	v1 =	vld.idx.msk [tilespmem:v56+s2+$0x0], $0xffff  }
0x65: {  	v57 =	vor.u32 $0x8, v0;
	_ =	sdelay $0x3  }
0x66: {  	[tilespmem:s19+$0x380] =	vst v1  }
0x67: {  	v1 =	vld.idx.msk [tilespmem:v57+s2+$0x0], $0xffff  }
0x68: {  	v58 =	vor.u32 $0x9, v0;
	_ =	sdelay $0x2  }
0x69: {  	s17 =	sor.u32 s31, s17  }
0x6a: {  	[tilespmem:s17+$0x0] =	vst v1  }
0x6b: {  	v1 =	vld.idx.msk [tilespmem:v58+s2+$0x0], $0xffff  }
0x6c: {  	v59 =	vor.u32 $0xA, v0;
	_ =	sdelay $0x3  }
0x6d: {  	[tilespmem:s19+$0x880] =	vst v1  }
0x6e: {  	v1 =	vld.idx.msk [tilespmem:v59+s2+$0x0], $0xffff  }
0x6f: {  	v60 =	vor.u32 $0xB, v0;
	_ =	sdelay $0x3  }
0x70: {  	[tilespmem:s19+$0x900] =	vst v1  }
0x71: {  	v1 =	vld.idx.msk [tilespmem:v60+s2+$0x0], $0xffff  }
0x72: {  	v61 =	vor.u32 $0xC, v0;
	_ =	sdelay $0x3  }
0x73: {  	[tilespmem:s19+$0x980] =	vst v1  }
0x74: {  	v1 =	vld.idx.msk [tilespmem:v61+s2+$0x0], $0xffff  }
0x75: {  	v62 =	vor.u32 $0xD, v0;
	_ =	sdelay $0x3  }
0x76: {  	[tilespmem:s19+$0xA00] =	vst v1  }
0x77: {  	v1 =	vld.idx.msk [tilespmem:v62+s2+$0x0], $0xffff  }
0x78: {  	v63 =	vor.u32 $0xE, v0;
	_ =	sdelay $0x3  }
0x79: {  	[tilespmem:s19+$0xA80] =	vst v1  }
0x7a: {  	v1 =	vld.idx.msk [tilespmem:v63+s2+$0x0], $0xffff  }
0x7b: {  	v0 =	vor.u32 $0xF, v0;
	_ =	sdelay $0x3  }
0x7c: {  	s12 =	sadd.s32 $0x2, s12;
	[tilespmem:s19+$0xB00] =	vst v1  }
0x7d: {  	p0 =	slt.u32 s12, $0x7E;
	v0 =	vld.idx.msk [tilespmem:v0+s2+$0x0], $0xffff  }
.Ltmp0:
0x7e: {  	_ = 	snop;
	(pc) =	sbr.rel @p0 .LBB2_2-.Ltmp0, $3  }
0x7f: {  	_ =	sdelay $0x1  }
0x80: {  	s13 =	sadd.s32 $0x20, s13  }
0x81: {  	s16 =	sadd.s32 $0x100, s16;
	s15 =	sadd.s32 $0x200, s15;
	s14 =	sadd.s32 $0x20, s14;
	[tilespmem:s19+$0xB80] =	vst v0  }
0x82: {  	s11 =	sadd.s32 $0x1, s11  }
0x83: {  	p0 =	sne.s32 s11, s6  }
.Ltmp1:
0x84: {  	_ = 	snop;
	(pc) =	sbr.rel @p0 .LBB2_1-.Ltmp1, $4  }
0x85: {  	[hbm4b:s5+s2] =	stream.linear.scatter [tilespmem:s9], [sflag:$0x2], $0x8000, $0x38;
	[tilespmem:$0xC480] =	vst v63  }
0x86: {  	_ =	swait.ge [sflag:s10], $0x8000  }
0x87: {  	[sflag:s10] =	ssyncset.done $0x0  }
0x88: {  	[sflag:s10] =	ssyncadd.s32 $0xFFFF8000  }
0x89: {  	_ =	sfence.sel $0x180000  }
0x8a: {  	[bflag:$0x0] =	sbarrier.arrive $0xFFFF  }
0x8b: {  	p0 =	sne.s32 s1, $0x0;
	_ =	strace $0x90000047  }
0x8c: {  	s0 =	sadd.s32 @!p0 $0x100000, s0;
	[bflag:$0x2] =	sbarrier.arrive $0xFFFF  }
0x8d: {  	[sflag:s0] =	ssyncadd.tile.s32 @!p0 $0x1;
	_ =	shalt  }
.Lfunc_end2:
_tile_overlayer_lowered:
.L_overlay_start_2:
0x8e: {  	(tag) =	ssettag $0x2  }
0x8f: {  	s0 =	rddreg [dreg:$0x0];
	s2 =	stileid.u32  }
0x90: {  	s1 =	rddreg [dreg:$0x1];
	p0 =	sne.s32 s2, $0x0  }
0x91: {  	s3 =	rddreg [dreg:$0x2];
	[bflag:$0x3] =	sbarrier.arrive $0xFFFF;
	s2 =	simm.s32 @!p0 $0x1C02  }
0x92: {  	[timem:s3], [sflag:s2] =	dma.local @!p0 [hbm:s0], s1  }
0x93: {  	s0 =	simm.s32 @!p0 $0x2  }
0x94: {  	_ =	swait.ge @!p0 [sflag:s0], s1  }
0x95: {  	s1 =	ssub.s32 @!p0 $0x0, s1;
	[sflag:s0] =	ssyncset.done @!p0 $0x0  }
0x96: {  	[sflag:s0] =	ssyncadd.s32 @!p0 s1  }
0x97: {  	[bflag:$0x3] =	sbarrier.arrive $0xFFFF  }
0x98: {  	_ =	shalt  }

</sc_bundles>
